<compile_context>
chip_gen: v7x
topology: tpu7x:2x2x1
jax: 0.10.2.dev20260603
libtpu: 0.0.44.dev20260713+nightly
codegen_flags: <defaults>
</compile_context>

<pallas_src>
import functools

import jax
import jax.numpy as jnp
from jax import lax
from jax.experimental import pallas as pl
from jax.experimental.pallas import tpu as pltpu
from jax.experimental.pallas import tpu_sc as plsc

_NC, _NS = 2, 16
_NW = _NC * _NS
_CHUNK = 1024


def kernel(memory, input_logits):
    size, dim = memory.shape
    num = input_logits.shape[0]
    assert num % _CHUNK == 0
    lchunks = num // _CHUNK
    nfull = size // _CHUNK
    tail = size - nfull * _CHUNK
    npairs = (pl.cdiv(nfull, _NW) + 1) // 2
    memt = memory.T
    logt = input_logits.T

    mesh = plsc.VectorSubcoreMesh(core_axis_name="c", subcore_axis_name="s")

    @functools.partial(
        pl.kernel,
        out_type=jax.ShapeDtypeStruct((dim, size), memory.dtype),
        mesh=mesh,
        compiler_params=pltpu.CompilerParams(use_tc_tiling_on_sc=True),
        scratch_types=[
            pltpu.VMEM((dim, _CHUNK), jnp.float32),
            pltpu.VMEM((dim, _CHUNK), jnp.float32),
            pltpu.SemaphoreType.DMA((4,)),
        ],
    )
    def run(mem_hbm, log_hbm, out_hbm, buf0, buf1, sems):
        w = lax.axis_index("s") * _NC + lax.axis_index("c")

        def start_read(c, buf, sem):
            start = c * _CHUNK

            @pl.when(c < lchunks)
            def _():
                pltpu.async_copy(log_hbm.at[:, pl.ds(start, _CHUNK)], buf, sem)

            @pl.when(jnp.logical_and(c >= lchunks, c < nfull))
            def _():
                pltpu.async_copy(mem_hbm.at[:, pl.ds(start, _CHUNK)], buf, sem)

        def wait_read(c, buf, sem):
            @pl.when(c < nfull)
            def _():
                pltpu.make_async_copy(
                    mem_hbm.at[:, pl.ds(c * _CHUNK, _CHUNK)], buf, sem).wait()

        def write(c, buf, sem):
            @pl.when(c < nfull)
            def _():
                pltpu.async_copy(buf, out_hbm.at[:, pl.ds(c * _CHUNK, _CHUNK)],
                                 sem)

        def wait_write(c, buf, sem):
            @pl.when(c < nfull)
            def _():
                pltpu.make_async_copy(
                    buf, out_hbm.at[:, pl.ds(c * _CHUNK, _CHUNK)], sem).wait()

        def body(t, carry):
            c0 = w + (2 * t) * _NW
            c1 = w + (2 * t + 1) * _NW
            start_read(c0, buf0, sems.at[0])
            start_read(c1, buf1, sems.at[1])
            wait_read(c0, buf0, sems.at[0])
            write(c0, buf0, sems.at[2])
            wait_read(c1, buf1, sems.at[1])
            write(c1, buf1, sems.at[3])
            wait_write(c0, buf0, sems.at[2])
            wait_write(c1, buf1, sems.at[3])
            return carry

        lax.fori_loop(0, npairs, body, 0)

    outt = run(memt, logt)

    tail_block = 128
    nblocks = pl.cdiv(tail, tail_block)
    first = (nfull * _CHUNK) // tail_block

    def tc_body(mem_ref, alias_ref, out_ref, idx_ref):
        del alias_ref
        out_ref[...] = mem_ref[...]
        idx_ref[0] = jnp.int32(num % size)

    outt, new_index = pl.pallas_call(
        tc_body,
        grid=(nblocks,),
        in_specs=[
            pl.BlockSpec((dim, tail_block), lambda i: (0, first + i)),
            pl.BlockSpec(memory_space=pl.ANY),
        ],
        out_specs=[
            pl.BlockSpec((dim, tail_block), lambda i: (0, first + i)),
            pl.BlockSpec(memory_space=pltpu.SMEM),
        ],
        out_shape=[
            jax.ShapeDtypeStruct((dim, size), memory.dtype),
            jax.ShapeDtypeStruct((1,), jnp.int32),
        ],
        input_output_aliases={1: 0},
    )(memt, outt)
    return (outt.T, new_index[0])

# --- scband reference (transcript-rebuilt; emitter-appended) ---
"""Pipeline reference for scband-logits-memory-14027363189278 (READ-ONLY COPY).

The authoritative reference and input builder live on the scoring server;
editing this copy changes nothing except your own understanding.
"""

import jax, jax.numpy as jnp
import numpy as np

SIZE = 1000000
DIM = 32
BATCH = 16384

def setup_inputs(seed: int = 0) -> dict:
    key = jax.random.key(seed)
    k1, k2 = jax.random.split(key)
    memory = jax.random.normal(k1, (SIZE, DIM), dtype=jnp.float32)
    input_logits = jax.random.normal(k2, (BATCH, DIM), dtype=jnp.float32)
    return {"memory": memory, "input_logits": input_logits}

def reference(memory, input_logits):
    # Faithful translation of LogitsMemory.forward(input_logits, update=True, enqueue=True)
    # starting from self.index = 0 (fresh module state).
    size = memory.shape[0]
    num = input_logits.shape[0]
    index = 0
    out_ids = (jnp.arange(num, dtype=jnp.int64) + index) % size
    # torch: self.memory.index_copy_(0, out_ids, input_logits) -> scatter-overwrite
    memory_new = memory.at[out_ids].set(input_logits)
    new_index = (index + num) % size
    return (memory_new, jnp.array(new_index, dtype=jnp.int32))

if __name__ == "__main__":
    import jax
    _d = setup_inputs()
    print(jax.jit(kernel)(*tuple(_d.values())))

</pallas_src>

<mosaic_0001>
#map = affine_map<(d0, d1) -> (0, 0)>
module attributes {stable_mosaic.version = 14 : i64} {
  func.func @run(%arg0: i32, %arg1: i32, %arg2: memref<32x1000000xf32, #tpu.memory_space<hbm>>, %arg3: memref<32x16384xf32, #tpu.memory_space<hbm>>, %arg4: memref<32x1000000xf32, #tpu.memory_space<hbm>>, %arg5: memref<32x1024xf32, #tpu.memory_space<vmem>>, %arg6: memref<32x1024xf32, #tpu.memory_space<vmem>>, %arg7: memref<4x!tpu.dma_semaphore, #tpu.memory_space<semaphore_mem>>) attributes {dimension_semantics = [#tpu.dimension_semantics<core_parallel>, #tpu.dimension_semantics<subcore_parallel>], iteration_bounds = array<i64: 2, 16>, scalar_prefetch = 0 : i64, scratch_operands = 3 : i64, tpu.core_type = #tpu.core_type<sc_vector_subcore>, window_params = [{transform_indices = #map}, {transform_indices = #map}, {transform_indices = #map}]} {
    %mul3A = arith.constant 2 : i32
    %mul3A_0 = arith.muli %arg1, %mul3A : i32
    %add3A = arith.addi %mul3A_0, %arg0 : i32
    %scan3A = arith.constant 0 : i32
    %scan3A_1 = arith.constant 0 : i32
    %scan3A_2 = arith.constant 16 : i32
    %scan3A_3 = arith.addi %scan3A_1, %scan3A_2 : i32
    %scan3A_4 = arith.constant 1 : i32
    scf.for %scan3A_6 = %scan3A_1 to %scan3A_3 step %scan3A_4  : i32 {
      %mul3A_7 = arith.constant 2 : i32
      %mul3A_8 = arith.muli %mul3A_7, %scan3A_6 : i32
      %mul3A_9 = arith.constant 32 : i32
      %mul3A_10 = arith.muli %mul3A_8, %mul3A_9 : i32
      %add3A_11 = arith.addi %add3A, %mul3A_10 : i32
      %mul3A_12 = arith.constant 2 : i32
      %mul3A_13 = arith.muli %mul3A_12, %scan3A_6 : i32
      %add3A_14 = arith.constant 1 : i32
      %add3A_15 = arith.addi %mul3A_13, %add3A_14 : i32
      %mul3A_16 = arith.constant 32 : i32
      %mul3A_17 = arith.muli %add3A_15, %mul3A_16 : i32
      %add3A_18 = arith.addi %add3A, %mul3A_17 : i32
      %mul3A_19 = arith.constant 1024 : i32
      %mul3A_20 = arith.muli %add3A_11, %mul3A_19 : i32
      %lt3A = arith.constant 16 : i32
      %lt3A_21 = arith.cmpi slt, %add3A_11, %lt3A : i32
      %convert_element_type3A = arith.extui %lt3A_21 : i1 to i32
      %cond3A = arith.constant 0 : i32
      %cond3A_22 = arith.constant 0 : i32
      %cond3A_23 = arith.cmpi ne, %convert_element_type3A, %cond3A_22 : i32
      scf.if %cond3A_23 {
        %dma_start3A = arith.constant 0 : i32
        %dma_start3A_84 = tpu.memref_slice %arg3[%dma_start3A, %mul3A_20] : memref<32x16384xf32, #tpu.memory_space<hbm>> -> memref<32x1024xf32, #tpu.memory_space<hbm>>
        %dma_start3A_85 = tpu.memref_slice %arg7[%cond3A] : memref<4x!tpu.dma_semaphore, #tpu.memory_space<semaphore_mem>> -> memref<1x!tpu.dma_semaphore, #tpu.memory_space<semaphore_mem>>
        %dma_start3A_86 = tpu.memref_squeeze %dma_start3A_85 : memref<1x!tpu.dma_semaphore, #tpu.memory_space<semaphore_mem>> -> memref<!tpu.dma_semaphore, #tpu.memory_space<semaphore_mem>>
        %dma_start3A_87 = arith.constant 0 : i32
        %dma_start3A_88 = tpu.memref_slice %arg3[%dma_start3A_87, %mul3A_20] : memref<32x16384xf32, #tpu.memory_space<hbm>> -> memref<32x1024xf32, #tpu.memory_space<hbm>>
        tpu.enqueue_dma source(%dma_start3A_88 : memref<32x1024xf32, #tpu.memory_space<hbm>>) target(%arg5 : memref<32x1024xf32, #tpu.memory_space<vmem>>) target_semaphore(%dma_start3A_86 : memref<!tpu.dma_semaphore, #tpu.memory_space<semaphore_mem>>)
      } else {
      }
      %ge3A = arith.constant 16 : i32
      %ge3A_24 = arith.cmpi sge, %add3A_11, %ge3A : i32
      %lt3A_25 = arith.constant 976 : i32
      %lt3A_26 = arith.cmpi slt, %add3A_11, %lt3A_25 : i32
      %and3A = arith.andi %ge3A_24, %lt3A_26 : i1
      %convert_element_type3A_27 = arith.extui %and3A : i1 to i32
      %cond3A_28 = arith.constant 0 : i32
      %cond3A_29 = arith.constant 0 : i32
      %cond3A_30 = arith.cmpi ne, %convert_element_type3A_27, %cond3A_29 : i32
      scf.if %cond3A_30 {
        %dma_start3A = arith.constant 0 : i32
        %dma_start3A_84 = tpu.memref_slice %arg2[%dma_start3A, %mul3A_20] : memref<32x1000000xf32, #tpu.memory_space<hbm>> -> memref<32x1024xf32, #tpu.memory_space<hbm>>
        %dma_start3A_85 = tpu.memref_slice %arg7[%cond3A_28] : memref<4x!tpu.dma_semaphore, #tpu.memory_space<semaphore_mem>> -> memref<1x!tpu.dma_semaphore, #tpu.memory_space<semaphore_mem>>
        %dma_start3A_86 = tpu.memref_squeeze %dma_start3A_85 : memref<1x!tpu.dma_semaphore, #tpu.memory_space<semaphore_mem>> -> memref<!tpu.dma_semaphore, #tpu.memory_space<semaphore_mem>>
        %dma_start3A_87 = arith.constant 0 : i32
        %dma_start3A_88 = tpu.memref_slice %arg2[%dma_start3A_87, %mul3A_20] : memref<32x1000000xf32, #tpu.memory_space<hbm>> -> memref<32x1024xf32, #tpu.memory_space<hbm>>
        tpu.enqueue_dma source(%dma_start3A_88 : memref<32x1024xf32, #tpu.memory_space<hbm>>) target(%arg5 : memref<32x1024xf32, #tpu.memory_space<vmem>>) target_semaphore(%dma_start3A_86 : memref<!tpu.dma_semaphore, #tpu.memory_space<semaphore_mem>>)
      } else {
      }
      %mul3A_31 = arith.constant 1024 : i32
      %mul3A_32 = arith.muli %add3A_18, %mul3A_31 : i32
      %lt3A_33 = arith.constant 16 : i32
      %lt3A_34 = arith.cmpi slt, %add3A_18, %lt3A_33 : i32
      %convert_element_type3A_35 = arith.extui %lt3A_34 : i1 to i32
      %cond3A_36 = arith.constant 1 : i32
      %cond3A_37 = arith.constant 0 : i32
      %cond3A_38 = arith.cmpi ne, %convert_element_type3A_35, %cond3A_37 : i32
      scf.if %cond3A_38 {
        %dma_start3A = arith.constant 0 : i32
        %dma_start3A_84 = tpu.memref_slice %arg3[%dma_start3A, %mul3A_32] : memref<32x16384xf32, #tpu.memory_space<hbm>> -> memref<32x1024xf32, #tpu.memory_space<hbm>>
        %dma_start3A_85 = tpu.memref_slice %arg7[%cond3A_36] : memref<4x!tpu.dma_semaphore, #tpu.memory_space<semaphore_mem>> -> memref<1x!tpu.dma_semaphore, #tpu.memory_space<semaphore_mem>>
        %dma_start3A_86 = tpu.memref_squeeze %dma_start3A_85 : memref<1x!tpu.dma_semaphore, #tpu.memory_space<semaphore_mem>> -> memref<!tpu.dma_semaphore, #tpu.memory_space<semaphore_mem>>
        %dma_start3A_87 = arith.constant 0 : i32
        %dma_start3A_88 = tpu.memref_slice %arg3[%dma_start3A_87, %mul3A_32] : memref<32x16384xf32, #tpu.memory_space<hbm>> -> memref<32x1024xf32, #tpu.memory_space<hbm>>
        tpu.enqueue_dma source(%dma_start3A_88 : memref<32x1024xf32, #tpu.memory_space<hbm>>) target(%arg6 : memref<32x1024xf32, #tpu.memory_space<vmem>>) target_semaphore(%dma_start3A_86 : memref<!tpu.dma_semaphore, #tpu.memory_space<semaphore_mem>>)
      } else {
      }
      %ge3A_39 = arith.constant 16 : i32
      %ge3A_40 = arith.cmpi sge, %add3A_18, %ge3A_39 : i32
      %lt3A_41 = arith.constant 976 : i32
      %lt3A_42 = arith.cmpi slt, %add3A_18, %lt3A_41 : i32
      %and3A_43 = arith.andi %ge3A_40, %lt3A_42 : i1
      %convert_element_type3A_44 = arith.extui %and3A_43 : i1 to i32
      %cond3A_45 = arith.constant 1 : i32
      %cond3A_46 = arith.constant 0 : i32
      %cond3A_47 = arith.cmpi ne, %convert_element_type3A_44, %cond3A_46 : i32
      scf.if %cond3A_47 {
        %dma_start3A = arith.constant 0 : i32
        %dma_start3A_84 = tpu.memref_slice %arg2[%dma_start3A, %mul3A_32] : memref<32x1000000xf32, #tpu.memory_space<hbm>> -> memref<32x1024xf32, #tpu.memory_space<hbm>>
        %dma_start3A_85 = tpu.memref_slice %arg7[%cond3A_45] : memref<4x!tpu.dma_semaphore, #tpu.memory_space<semaphore_mem>> -> memref<1x!tpu.dma_semaphore, #tpu.memory_space<semaphore_mem>>
        %dma_start3A_86 = tpu.memref_squeeze %dma_start3A_85 : memref<1x!tpu.dma_semaphore, #tpu.memory_space<semaphore_mem>> -> memref<!tpu.dma_semaphore, #tpu.memory_space<semaphore_mem>>
        %dma_start3A_87 = arith.constant 0 : i32
        %dma_start3A_88 = tpu.memref_slice %arg2[%dma_start3A_87, %mul3A_32] : memref<32x1000000xf32, #tpu.memory_space<hbm>> -> memref<32x1024xf32, #tpu.memory_space<hbm>>
        tpu.enqueue_dma source(%dma_start3A_88 : memref<32x1024xf32, #tpu.memory_space<hbm>>) target(%arg6 : memref<32x1024xf32, #tpu.memory_space<vmem>>) target_semaphore(%dma_start3A_86 : memref<!tpu.dma_semaphore, #tpu.memory_space<semaphore_mem>>)
      } else {
      }
      %lt3A_48 = arith.constant 976 : i32
      %lt3A_49 = arith.cmpi slt, %add3A_11, %lt3A_48 : i32
      %convert_element_type3A_50 = arith.extui %lt3A_49 : i1 to i32
      %cond3A_51 = arith.constant 0 : i32
      %cond3A_52 = arith.constant 0 : i32
      %cond3A_53 = arith.cmpi ne, %convert_element_type3A_50, %cond3A_52 : i32
      scf.if %cond3A_53 {
        %mul3A_84 = arith.constant 1024 : i32
        %mul3A_85 = arith.muli %add3A_11, %mul3A_84 : i32
        %dma_wait3A = arith.constant 0 : i32
        %dma_wait3A_86 = tpu.memref_slice %arg2[%dma_wait3A, %mul3A_85] : memref<32x1000000xf32, #tpu.memory_space<hbm>> -> memref<32x1024xf32, #tpu.memory_space<hbm>>
        %dma_wait3A_87 = tpu.memref_slice %arg7[%cond3A_51] : memref<4x!tpu.dma_semaphore, #tpu.memory_space<semaphore_mem>> -> memref<1x!tpu.dma_semaphore, #tpu.memory_space<semaphore_mem>>
        %dma_wait3A_88 = tpu.memref_squeeze %dma_wait3A_87 : memref<1x!tpu.dma_semaphore, #tpu.memory_space<semaphore_mem>> -> memref<!tpu.dma_semaphore, #tpu.memory_space<semaphore_mem>>
        %dma_wait3A_89 = arith.constant 0 : i32
        %dma_wait3A_90 = tpu.memref_slice %arg2[%dma_wait3A_89, %mul3A_85] : memref<32x1000000xf32, #tpu.memory_space<hbm>> -> memref<32x1024xf32, #tpu.memory_space<hbm>>
        tpu.wait_dma2 semaphore(%dma_wait3A_88 : memref<!tpu.dma_semaphore, #tpu.memory_space<semaphore_mem>>) src(%dma_wait3A_90 : memref<32x1024xf32, #tpu.memory_space<hbm>>) dst(%arg5 : memref<32x1024xf32, #tpu.memory_space<vmem>>)
      } else {
      }
      %lt3A_54 = arith.constant 976 : i32
      %lt3A_55 = arith.cmpi slt, %add3A_11, %lt3A_54 : i32
      %convert_element_type3A_56 = arith.extui %lt3A_55 : i1 to i32
      %cond3A_57 = arith.constant 2 : i32
      %cond3A_58 = arith.constant 0 : i32
      %cond3A_59 = arith.cmpi ne, %convert_element_type3A_56, %cond3A_58 : i32
      scf.if %cond3A_59 {
        %mul3A_84 = arith.constant 1024 : i32
        %mul3A_85 = arith.muli %add3A_11, %mul3A_84 : i32
        %dma_start3A = arith.constant 0 : i32
        %dma_start3A_86 = tpu.memref_slice %arg4[%dma_start3A, %mul3A_85] : memref<32x1000000xf32, #tpu.memory_space<hbm>> -> memref<32x1024xf32, #tpu.memory_space<hbm>>
        %dma_start3A_87 = tpu.memref_slice %arg7[%cond3A_57] : memref<4x!tpu.dma_semaphore, #tpu.memory_space<semaphore_mem>> -> memref<1x!tpu.dma_semaphore, #tpu.memory_space<semaphore_mem>>
        %dma_start3A_88 = tpu.memref_squeeze %dma_start3A_87 : memref<1x!tpu.dma_semaphore, #tpu.memory_space<semaphore_mem>> -> memref<!tpu.dma_semaphore, #tpu.memory_space<semaphore_mem>>
        %dma_start3A_89 = arith.constant 0 : i32
        %dma_start3A_90 = tpu.memref_slice %arg4[%dma_start3A_89, %mul3A_85] : memref<32x1000000xf32, #tpu.memory_space<hbm>> -> memref<32x1024xf32, #tpu.memory_space<hbm>>
        tpu.enqueue_dma source(%arg5 : memref<32x1024xf32, #tpu.memory_space<vmem>>) target(%dma_start3A_90 : memref<32x1024xf32, #tpu.memory_space<hbm>>) target_semaphore(%dma_start3A_88 : memref<!tpu.dma_semaphore, #tpu.memory_space<semaphore_mem>>)
      } else {
      }
      %lt3A_60 = arith.constant 976 : i32
      %lt3A_61 = arith.cmpi slt, %add3A_18, %lt3A_60 : i32
      %convert_element_type3A_62 = arith.extui %lt3A_61 : i1 to i32
      %cond3A_63 = arith.constant 1 : i32
      %cond3A_64 = arith.constant 0 : i32
      %cond3A_65 = arith.cmpi ne, %convert_element_type3A_62, %cond3A_64 : i32
      scf.if %cond3A_65 {
        %mul3A_84 = arith.constant 1024 : i32
        %mul3A_85 = arith.muli %add3A_18, %mul3A_84 : i32
        %dma_wait3A = arith.constant 0 : i32
        %dma_wait3A_86 = tpu.memref_slice %arg2[%dma_wait3A, %mul3A_85] : memref<32x1000000xf32, #tpu.memory_space<hbm>> -> memref<32x1024xf32, #tpu.memory_space<hbm>>
        %dma_wait3A_87 = tpu.memref_slice %arg7[%cond3A_63] : memref<4x!tpu.dma_semaphore, #tpu.memory_space<semaphore_mem>> -> memref<1x!tpu.dma_semaphore, #tpu.memory_space<semaphore_mem>>
        %dma_wait3A_88 = tpu.memref_squeeze %dma_wait3A_87 : memref<1x!tpu.dma_semaphore, #tpu.memory_space<semaphore_mem>> -> memref<!tpu.dma_semaphore, #tpu.memory_space<semaphore_mem>>
        %dma_wait3A_89 = arith.constant 0 : i32
        %dma_wait3A_90 = tpu.memref_slice %arg2[%dma_wait3A_89, %mul3A_85] : memref<32x1000000xf32, #tpu.memory_space<hbm>> -> memref<32x1024xf32, #tpu.memory_space<hbm>>
        tpu.wait_dma2 semaphore(%dma_wait3A_88 : memref<!tpu.dma_semaphore, #tpu.memory_space<semaphore_mem>>) src(%dma_wait3A_90 : memref<32x1024xf32, #tpu.memory_space<hbm>>) dst(%arg6 : memref<32x1024xf32, #tpu.memory_space<vmem>>)
      } else {
      }
      %lt3A_66 = arith.constant 976 : i32
      %lt3A_67 = arith.cmpi slt, %add3A_18, %lt3A_66 : i32
      %convert_element_type3A_68 = arith.extui %lt3A_67 : i1 to i32
      %cond3A_69 = arith.constant 3 : i32
      %cond3A_70 = arith.constant 0 : i32
      %cond3A_71 = arith.cmpi ne, %convert_element_type3A_68, %cond3A_70 : i32
      scf.if %cond3A_71 {
        %mul3A_84 = arith.constant 1024 : i32
        %mul3A_85 = arith.muli %add3A_18, %mul3A_84 : i32
        %dma_start3A = arith.constant 0 : i32
        %dma_start3A_86 = tpu.memref_slice %arg4[%dma_start3A, %mul3A_85] : memref<32x1000000xf32, #tpu.memory_space<hbm>> -> memref<32x1024xf32, #tpu.memory_space<hbm>>
        %dma_start3A_87 = tpu.memref_slice %arg7[%cond3A_69] : memref<4x!tpu.dma_semaphore, #tpu.memory_space<semaphore_mem>> -> memref<1x!tpu.dma_semaphore, #tpu.memory_space<semaphore_mem>>
        %dma_start3A_88 = tpu.memref_squeeze %dma_start3A_87 : memref<1x!tpu.dma_semaphore, #tpu.memory_space<semaphore_mem>> -> memref<!tpu.dma_semaphore, #tpu.memory_space<semaphore_mem>>
        %dma_start3A_89 = arith.constant 0 : i32
        %dma_start3A_90 = tpu.memref_slice %arg4[%dma_start3A_89, %mul3A_85] : memref<32x1000000xf32, #tpu.memory_space<hbm>> -> memref<32x1024xf32, #tpu.memory_space<hbm>>
        tpu.enqueue_dma source(%arg6 : memref<32x1024xf32, #tpu.memory_space<vmem>>) target(%dma_start3A_90 : memref<32x1024xf32, #tpu.memory_space<hbm>>) target_semaphore(%dma_start3A_88 : memref<!tpu.dma_semaphore, #tpu.memory_space<semaphore_mem>>)
      } else {
      }
      %lt3A_72 = arith.constant 976 : i32
      %lt3A_73 = arith.cmpi slt, %add3A_11, %lt3A_72 : i32
      %convert_element_type3A_74 = arith.extui %lt3A_73 : i1 to i32
      %cond3A_75 = arith.constant 2 : i32
      %cond3A_76 = arith.constant 0 : i32
      %cond3A_77 = arith.cmpi ne, %convert_element_type3A_74, %cond3A_76 : i32
      scf.if %cond3A_77 {
        %mul3A_84 = arith.constant 1024 : i32
        %mul3A_85 = arith.muli %add3A_11, %mul3A_84 : i32
        %dma_wait3A = arith.constant 0 : i32
        %dma_wait3A_86 = tpu.memref_slice %arg4[%dma_wait3A, %mul3A_85] : memref<32x1000000xf32, #tpu.memory_space<hbm>> -> memref<32x1024xf32, #tpu.memory_space<hbm>>
        %dma_wait3A_87 = tpu.memref_slice %arg7[%cond3A_75] : memref<4x!tpu.dma_semaphore, #tpu.memory_space<semaphore_mem>> -> memref<1x!tpu.dma_semaphore, #tpu.memory_space<semaphore_mem>>
        %dma_wait3A_88 = tpu.memref_squeeze %dma_wait3A_87 : memref<1x!tpu.dma_semaphore, #tpu.memory_space<semaphore_mem>> -> memref<!tpu.dma_semaphore, #tpu.memory_space<semaphore_mem>>
        %dma_wait3A_89 = arith.constant 0 : i32
        %dma_wait3A_90 = tpu.memref_slice %arg4[%dma_wait3A_89, %mul3A_85] : memref<32x1000000xf32, #tpu.memory_space<hbm>> -> memref<32x1024xf32, #tpu.memory_space<hbm>>
        tpu.wait_dma2 semaphore(%dma_wait3A_88 : memref<!tpu.dma_semaphore, #tpu.memory_space<semaphore_mem>>) src(%arg5 : memref<32x1024xf32, #tpu.memory_space<vmem>>) dst(%dma_wait3A_90 : memref<32x1024xf32, #tpu.memory_space<hbm>>)
      } else {
      }
      %lt3A_78 = arith.constant 976 : i32
      %lt3A_79 = arith.cmpi slt, %add3A_18, %lt3A_78 : i32
      %convert_element_type3A_80 = arith.extui %lt3A_79 : i1 to i32
      %cond3A_81 = arith.constant 3 : i32
      %cond3A_82 = arith.constant 0 : i32
      %cond3A_83 = arith.cmpi ne, %convert_element_type3A_80, %cond3A_82 : i32
      scf.if %cond3A_83 {
        %mul3A_84 = arith.constant 1024 : i32
        %mul3A_85 = arith.muli %add3A_18, %mul3A_84 : i32
        %dma_wait3A = arith.constant 0 : i32
        %dma_wait3A_86 = tpu.memref_slice %arg4[%dma_wait3A, %mul3A_85] : memref<32x1000000xf32, #tpu.memory_space<hbm>> -> memref<32x1024xf32, #tpu.memory_space<hbm>>
        %dma_wait3A_87 = tpu.memref_slice %arg7[%cond3A_81] : memref<4x!tpu.dma_semaphore, #tpu.memory_space<semaphore_mem>> -> memref<1x!tpu.dma_semaphore, #tpu.memory_space<semaphore_mem>>
        %dma_wait3A_88 = tpu.memref_squeeze %dma_wait3A_87 : memref<1x!tpu.dma_semaphore, #tpu.memory_space<semaphore_mem>> -> memref<!tpu.dma_semaphore, #tpu.memory_space<semaphore_mem>>
        %dma_wait3A_89 = arith.constant 0 : i32
        %dma_wait3A_90 = tpu.memref_slice %arg4[%dma_wait3A_89, %mul3A_85] : memref<32x1000000xf32, #tpu.memory_space<hbm>> -> memref<32x1024xf32, #tpu.memory_space<hbm>>
        tpu.wait_dma2 semaphore(%dma_wait3A_88 : memref<!tpu.dma_semaphore, #tpu.memory_space<semaphore_mem>>) src(%arg6 : memref<32x1024xf32, #tpu.memory_space<vmem>>) dst(%dma_wait3A_90 : memref<32x1024xf32, #tpu.memory_space<hbm>>)
      } else {
      }
    }
    %scan3A_5 = arith.constant 16 : i32
    return
  }
}

module attributes {stable_mosaic.version = 14 : i64} {
  func.func @tc_body(%arg0: i32, %arg1: memref<32x128xf32, #tpu.memory_space<vmem>>, %arg2: memref<32x1000000xf32, #tpu.memory_space<any>>, %arg3: memref<32x128xf32, #tpu.memory_space<vmem>>, %arg4: memref<1xi32, #tpu.memory_space<smem>>) attributes {dimension_semantics = [#tpu.dimension_semantics<arbitrary>], iteration_bounds = array<i64: 5>, scalar_prefetch = 0 : i64, scratch_operands = 0 : i64, tpu.core_type = #tpu.core_type<tc>, window_params = [{transform_indices = @transform_0, window_bounds = array<i64: 32, 128>}, {}, {transform_indices = @transform_2, window_bounds = array<i64: 32, 128>}, {transform_indices = @transform_3, window_bounds = array<i64: 1>}]} {
    %get3A = arith.constant 0 : index
    %get3A_0 = arith.constant 0 : index
    %get3A_1 = vector.load %arg1[%get3A, %get3A_0] : memref<32x128xf32, #tpu.memory_space<vmem>>, vector<32x128xf32>
    %swap3A = arith.constant 0 : index
    %swap3A_2 = arith.constant 0 : index
    %swap3A_3 = vector.load %arg3[%swap3A, %swap3A_2] : memref<32x128xf32, #tpu.memory_space<vmem>>, vector<32x128xf32>
    tpu.vector_store %arg3[%swap3A, %swap3A_2], %get3A_1 {strides = array<i32>} : memref<32x128xf32, #tpu.memory_space<vmem>>, vector<32x128xf32>,
    %swap3A_4 = arith.constant 16384 : i32
    %swap3A_5 = arith.constant 0 : index
    %swap3A_6 = memref.load %arg4[%swap3A_5] : memref<1xi32, #tpu.memory_space<smem>>
    memref.store %swap3A_4, %arg4[%swap3A_5] : memref<1xi32, #tpu.memory_space<smem>>
    return
  }
  func.func @transform_0(%arg0: i32) -> (i32, i32) {
    %add3A = arith.constant 7808 : i32
    %add3A_0 = arith.addi %add3A, %arg0 : i32
    %c0_i32 = arith.constant 0 : i32
    %c0_i32_1 = arith.constant 0 : i32
    return %c0_i32, %add3A_0 : i32, i32
  }
  func.func @transform_2(%arg0: i32) -> (i32, i32) {
    %add3A = arith.constant 7808 : i32
    %add3A_0 = arith.addi %add3A, %arg0 : i32
    %c0_i32 = arith.constant 0 : i32
    %c0_i32_1 = arith.constant 0 : i32
    return %c0_i32, %add3A_0 : i32, i32
  }
  func.func @transform_3(%arg0: i32) -> i32 {
    %c0_i32 = arith.constant 0 : i32
    %c0_i32_0 = arith.constant 0 : i32
    return %c0_i32 : i32
  }
}

</mosaic_0001>

<sc_bundles>
// kernel: kernel.4.cloned.1.call-start
scs
__scs_entry_jumppad:
0x0: {  	(pc) =	sbr.rel $0x88, $3  }
0x1: {  	(tag) =	ssettag $0x0;
	lr =	simm.s32 $0x1  }
0x2: {  	[smem:$0x3F9F] =	sst lr;
	_ =	strace $0xD0000000  }
0x3: {  	_ = 	snop  }
0x4: {  	_ = 	snop  }
0x5: {  	_ = 	snop  }
0x6: {  	_ = 	snop  }
0x7: {  	_ = 	snop  }
__scs_overlays_trampoline_lowered:
0x8: {  	[smem:$0x3FAE] =	sst s0  }
0x9: {  	[smem:$0x3FAF] =	sst s1  }
0xa: {  	[smem:$0x3FB0] =	sst s2  }
0xb: {  	[smem:$0x3FB1] =	sst s3  }
0xc: {  	[smem:$0x3FB2] =	sst s4  }
0xd: {  	[smem:$0x3FB3] =	sst s5  }
0xe: {  	[smem:$0x3FB4] =	sst s6  }
0xf: {  	[smem:$0x3FB5] =	sst s7  }
0x10: {  	[smem:$0x3FB6] =	sst s8  }
0x11: {  	[smem:$0x3FB7] =	sst s9;
	s0 =	simm.s32 @!p0 $0x0  }
0x12: {  	s1 =	sld [smem:$0x3F9D];
	s0 =	simm.s32 @p0 $0x1  }
0x13: {  	[smem:$0x3FB8] =	sst s0;
	s0 =	simm.s32 @!p1 $0x0  }
0x14: {  	s2 =	sld [smem:$0x3F9C];
	s0 =	simm.s32 @p1 $0x1  }
0x15: {  	[smem:$0x3FB9] =	sst s0;
	s0 =	simm.s32 @!p2 $0x0  }
0x16: {  	s3 =	sld [smem:$0x3FDB];
	s0 =	simm.s32 @p2 $0x1  }
0x17: {  	s4 =	simm.s32 $0x1BF5;
	[smem:$0x3FBB] =	sst s0  }
0x18: {  	s0 =	sld [smem:$0x3F9E];
	_ =	swait.ge [sflag:s4], $0x0  }
0x19: {  	s7 =	sld [smem:$0x3F9F]  }
0x1a: {  	s8 =	sadd.s32 $0xFFFFE003, lr  }
0x1b: {  	s9 =	sadd.s32 $0xFFFFFEF7, lr;
	s5 =	simm.s32 $0xFFFFFFFF;
	p2 =	slt.u32 s8, $0xFFFFF086  }
0x1c: {  	p1 =	slt.u32 s9, $0xF7A;
	s5 =	simm.s32 @!p2 $0x0  }
0x1d: {  	s5 =	simm.s32 @p1 $0x1;
	p0 =	seq.s32 s7, s2  }
0x1e: {  	s7 =	smul.u32 @!p0 $0xF7A, s2;
	p2 =	seq.s32 @!p0 s5, $0x0  }
0x1f: {  	s9 =	smul.u32 $0xF7A, s1;
	s8 =	simm.s32 @!p0 $0x1BF5;
	p2 =	por !p2, p0  }
0x20: {  	[sflag:s8] =	ssyncset.s32 @!p0 $0xFFFFF086;
	s6 =	sadd.s32 @!p0 s3, s7;
	s7 =	simm.s32 @!p0 $0x108  }
0x21: {  	s3 =	sadd.s32 s3, s9;
	s6 =	sadd.s32 @!p0 $0x88, s6;
	s7 =	simm.s32 @p2 $0x1082  }
0x22: {  	[simem:s7], [sflag:s8] =	dma.local @!p0 [hbm:s6], $0xF7A  }
0x23: {  	s9 =	sor.u32 $0xD0000000, s2;
	s6 =	simm.s32 $0x108;
	_ =	swait.ge @!p0 [sflag:s8], $0x0  }
0x24: {  	s3 =	sadd.s32 $0x88, s3;
	s6 =	simm.s32 @!p1 $0x1082;
	[sflag:s4] =	ssyncset.s32 $0xFFFFF086  }
0x25: {  	[simem:s6], [sflag:s4] =	dma.local [hbm:s3], $0xF7A  }
0x26: {  	[smem:$0x3F9F] =	sst s1;
	(tag) =	ssettag s2;
	_ =	strace s9  }
0x27: {  	s1 =	sld [smem:$0x3FAF]  }
0x28: {  	s2 =	sld [smem:$0x3FB0]  }
0x29: {  	s4 =	sld [smem:$0x3FB2]  }
0x2a: {  	p0 =	seq.s32 s5, $0x0;
	s5 =	sld [smem:$0x3FB3]  }
0x2b: {  	s6 =	sld [smem:$0x3FB4]  }
0x2c: {  	s7 =	sld [smem:$0x3FB5]  }
0x2d: {  	s3 =	simm.s32 $0x108;
	s8 =	sld [smem:$0x3FB6]  }
0x2e: {  	s3 =	simm.s32 @!p0 $0x1082;
	s9 =	sld [smem:$0x3FB7]  }
0x2f: {  	lr =	sadd.s32 s0, s3;
	s0 =	sld [smem:$0x3FAE]  }
0x30: {  	s3 =	sld [smem:$0x3FB1]  }
0x31: {  	[smem:$0x3FBA] =	sst s10  }
0x32: {  	s10 =	sld [smem:$0x3FB8];
	_ =	sdelay $0x3  }
0x33: {  	p0 =	seq.s32 s10, $0x1;
	s10 =	sld [smem:$0x3FBA];
	_ =	sdelay $0x3  }
0x34: {  	[smem:$0x3FBA] =	sst s10  }
0x35: {  	s10 =	sld [smem:$0x3FB9];
	_ =	sdelay $0x3  }
0x36: {  	p1 =	seq.s32 s10, $0x1;
	s10 =	sld [smem:$0x3FBA];
	_ =	sdelay $0x3  }
0x37: {  	[smem:$0x3FBA] =	sst s10  }
0x38: {  	s10 =	sld [smem:$0x3FBB]  }
0x39: {  	_ = 	snop;
	(pc) =	sbr.ind lr, $3  }
0x3a: {  	_ = 	snop  }
0x3b: {  	_ = 	snop  }
0x3c: {  	p2 =	seq.s32 s10, $0x1;
	s10 =	sld [smem:$0x3FBA]  }
0x3d: {  	_ =	shalt  }
0x3e: {  	_ =	shalt  }
0x3f: {  	_ =	shalt  }
0x40: {  	_ =	shalt  }
0x41: {  	_ =	shalt  }
0x42: {  	_ =	shalt  }
0x43: {  	_ =	shalt  }
0x44: {  	_ =	shalt  }
0x45: {  	_ =	shalt  }
0x46: {  	_ =	shalt  }
0x47: {  	_ =	shalt  }
0x48: {  	_ =	shalt  }
0x49: {  	_ =	shalt  }
0x4a: {  	_ =	shalt  }
0x4b: {  	_ =	shalt  }
0x4c: {  	_ =	shalt  }
0x4d: {  	_ =	shalt  }
0x4e: {  	_ =	shalt  }
0x4f: {  	_ =	shalt  }
0x50: {  	_ =	shalt  }
0x51: {  	_ =	shalt  }
0x52: {  	_ =	shalt  }
0x53: {  	_ =	shalt  }
0x54: {  	_ =	shalt  }
0x55: {  	_ =	shalt  }
0x56: {  	_ =	shalt  }
0x57: {  	_ =	shalt  }
0x58: {  	_ =	shalt  }
0x59: {  	_ =	shalt  }
0x5a: {  	_ =	shalt  }
0x5b: {  	_ =	shalt  }
0x5c: {  	_ =	shalt  }
0x5d: {  	_ =	shalt  }
0x5e: {  	_ =	shalt  }
0x5f: {  	_ =	shalt  }
0x60: {  	_ =	shalt  }
0x61: {  	_ =	shalt  }
0x62: {  	_ =	shalt  }
0x63: {  	_ =	shalt  }
0x64: {  	_ =	shalt  }
0x65: {  	_ =	shalt  }
0x66: {  	_ =	shalt  }
0x67: {  	_ =	shalt  }
0x68: {  	_ =	shalt  }
0x69: {  	_ =	shalt  }
0x6a: {  	_ =	shalt  }
0x6b: {  	_ =	shalt  }
0x6c: {  	_ =	shalt  }
0x6d: {  	_ =	shalt  }
0x6e: {  	_ =	shalt  }
0x6f: {  	_ =	shalt  }
0x70: {  	_ =	shalt  }
0x71: {  	_ =	shalt  }
0x72: {  	_ =	shalt  }
0x73: {  	_ =	shalt  }
0x74: {  	_ =	shalt  }
0x75: {  	_ =	shalt  }
0x76: {  	_ =	shalt  }
0x77: {  	_ =	shalt  }
0x78: {  	_ =	shalt  }
0x79: {  	_ =	shalt  }
0x7a: {  	_ =	shalt  }
0x7b: {  	_ =	shalt  }
0x7c: {  	_ =	shalt  }
0x7d: {  	_ =	shalt  }
0x7e: {  	_ =	shalt  }
0x7f: {  	_ =	shalt  }
0x80: {  	_ =	shalt  }
0x81: {  	_ =	shalt  }
0x82: {  	_ =	shalt  }
0x83: {  	_ =	shalt  }
0x84: {  	_ =	shalt  }
0x85: {  	_ =	shalt  }
0x86: {  	_ =	shalt  }
0x87: {  	_ =	shalt  }
.Lfunc_end0:
.L_simem_size_0:
called_computation_lowered:
.L_overlay_start_0:
0x88: {  	s2 =	sld [smem:$0x3FD9]  }
0x89: {  	s3 =	sld [smem:$0x3FFE];
	_ =	sdelay $0x1  }
0x8a: {  	s1 =	srdreg.scid  }
0x8b: {  	s0 =	sand.u32 $0x1, s1  }
0x8c: {  	s15 =	sshll.u32 s0, $0xA;
	s2 =	sadd.s32 s3, s2  }
0x8d: {  	s2 =	sadd.s32 s2, s15  }
0x8e: {  	[smem:$0x3FC6] =	sst s2  }
0x8f: {  	_ = 	snop  }
0x90: {  	s2 =	sld [smem:$0x3FD0];
	_ =	sdelay $0x1  }
0x91: {  	s16 =	sld [smem:$0x3FC9]  }
0x92: {  	s5 =	simm.s32 $0xA;
	s6 =	simm.s32 $0x10;
	s4 =	sld [smem:$0x3FC8]  }
0x93: {  	[smem:s6], [sflag:s5] =	dma.local [hbm:s2], $0x1  }
0x94: {  	_ =	swait.eq [sflag:s5], $0x1  }
0x95: {  	[sflag:s5] =	ssyncset.done $0x0  }
0x96: {  	[sflag:s5] =	ssyncadd.s32 $0xFFFFFFFF  }
0x97: {  	s17 =	sld [smem:$0x10];
	(tm) =	ssettm $0x1  }
0x98: {  	s18 =	sld [smem:$0x3FFB];
	_ =	sdelay $0x3  }
0x99: {  	_ =	strace s18  }
0x9a: {  	s5 =	sld [smem:$0x3FFC];
	_ =	sdelay $0x3  }
0x9b: {  	_ =	strace s5  }
0x9c: {  	s5 =	sld [smem:$0x3FFD];
	_ =	sdelay $0x3  }
0x9d: {  	_ =	strace s5  }
0x9e: {  	_ =	strace $0x8FFFFFFF  }
0x9f: {  	s19 =	sld [smem:$0x3FDB];
	_ =	sdelay $0x1  }
0xa0: {  	s20 =	simm.s32 $_scs_section_size  }
0xa1: {  	s7 =	simm.s32 $_size__tile_overlayer_lowered;
	s8 =	simm.s32 $_tile_overlayer_lowered  }
0xa2: {  	s23 =	simm.s32 $0x1BFF;
	s22 =	sshll.u32 s8, $0x1;
	s5 =	sadd.s32 s20, s19  }
0xa3: {  	s9 =	simm.s32 $0x0;
	s21 =	sshll.u32 s7, $0x1;
	s7 =	sadd.s32 s22, s5  }
0xa4: {  	[timem:s9], [sflag:s23] =	dma.local [hbm:s7], s21  }
0xa5: {  	_ =	swait.ge [sflag:s23], s21  }
0xa6: {  	s6 =	ssub.s32 $0x0, s21;
	[sflag:s23] =	ssyncset.done $0x0  }
0xa7: {  	[sflag:s23] =	ssyncadd.s32 s6;
	_ =	sdelay $0x1  }
0xa8: {  	s24 =	simm.s32 $0x1B8B  }
0xa9: {  	_ =	swait.ge [sflag:s24], $0x1  }
0xaa: {  	[sflag:s24] =	ssyncset.done $0x0  }
0xab: {  	s25 =	simm.s32 $0x1B8E;
	[sflag:s24] =	ssyncadd.s32 $0xFFFFFFFF  }
0xac: {  	s26 =	simm.s32 $execute0_lowered;
	[smem:$0x3FD2] =	sst s25  }
0xad: {  	s6 =	sshll.u32 s26, $0x1;
	_ =	strace $0x80000046;
	[dreg:$0x1] =	wrdreg $0xFFFFFFFF  }
0xae: {  	s28 =	simm.s32 $_size_execute0_lowered;
	s5 =	sadd.s32 s5, s6;
	[dreg:$0x0] =	wrdreg $0x0  }
0xaf: {  	s6 =	sshll.u32 s28, $0x1;
	[dreg:$0x2] =	wrdreg s5  }
0xb0: {  	[dreg:$0x3] =	wrdreg s6  }
0xb1: {  	[dreg:$0x4] =	wrdreg $0xC0  }
0xb2: {  	_ =	task [dreg:s9], $0x5FFFF  }
0xb3: {  	[dreg:$0x1] =	wrdreg $0xFFFFFFFF  }
0xb4: {  	[dreg:$0x0] =	wrdreg $0x60  }
0xb5: {  	[dreg:$0x2] =	wrdreg s16  }
0xb6: {  	[dreg:$0x3] =	wrdreg s4  }
0xb7: {  	[dreg:$0x4] =	wrdreg s17  }
0xb8: {  	[dreg:$0x5] =	wrdreg $0x9  }
0xb9: {  	_ =	task.clear_ibuf [dreg:s9], $0x6FFFF;
	_ =	strace $0x90000046  }
0xba: {  	s29 =	simm.s32 $0x9;
	_ =	strace $0x80000048  }
0xbb: {  	_ =	swait.ge [sflag:s29], $0x1  }
0xbc: {  	[sflag:s29] =	ssyncadd.s32 $0xFFFFFFFF  }
0xbd: {  	_ =	strace $0x90000048  }
0xbe: {  	_ =	sfence  }
0xbf: {  	s30 =	sld [smem:$0x0];
	_ =	sdelay $0x2  }
0xc0: {  	s31 =	sshll.u32 s1, $0xD;
	s1 =	sshrl.u32 s1, $0x2  }
0xc1: {  	s3 =	sand.u32 $0x4000, s31;
	s1 =	sadd.s32 s1, s30  }
0xc2: {  	s0 =	sor.u32 s3, s0;
	s1 =	sshll.u32 s1, $0x11  }
0xc3: {  	s0 =	sor.u32 s1, s0  }
0xc4: {  	s0 =	sadd.s32 $0x8F2B, s0  }
0xc5: {  	[sflag:s0] =	ssyncadd.remote.s32 $0x1  }
0xc6: {  	_ =	sfence.sel $0xFFFF  }
0xc7: {  	[dreg:$0x0] =	wrdreg $0xFFFFFFFF;
	(pc) =	sbr.abs _section_cstart, $3  }
0xc8: {  	[dreg:$0x1] =	wrdreg $0xFFFFFFFF  }
0xc9: {  	_ =	task.clear_ibuf [dreg:s9], $0x2FFFF;
	_ =	strace $0x9FFFFFFF  }
0xca: {  	(tm) =	ssettm $0x7FFFFFFF  }
0xcb: {  	_ =	shalt  }
tec
execute0_lowered:
.L_overlay_start_1:
0x0: {  	(tag) =	ssettag $0x1  }
0x1: {  	s6 =	rddreg [dreg:$0x0]  }
0x2: {  	s3 =	rddreg [dreg:$0x1]  }
0x3: {  	s8 =	rddreg [dreg:$0x2]  }
0x4: {  	s0 =	rddreg [dreg:$0x3]  }
0x5: {  	s4 =	srdreg.scid;
	s1 =	stileid.u32;
	s2 =	simm.s32 $0x0  }
0x6: {  	s14 =	simm.s32 $0x2;
	s15 =	simm.s32 $0x3;
	s16 =	simm.s32 $0x4  }
0x7: {  	s7 =	sand.u32 $0x1, s4;
	s29 =	sshll.u32 s1, $0x1;
	[smem:$0x7FF] =	sst s2  }
0x8: {  	s11 =	sshll.u32 s1, $0xB;
	p0 =	sgt.u32 s1, $0x7;
	s5 =	ssub.s32 $0x2, s7  }
0x9: {  	s9 =	sor.u32 s7, s29;
	_ =	strace $0x80000047;
	s12 =	sadd.s32 s11, s6  }
0xa: {  	s13 =	sshll.u32 s7, $0xA;
	s30 =	sshrl.u32 s5, $0x1;
	s10 =	sshll.u32 s9, $0xA  }
0xb: {  	s17 =	sor.u32 $0x3C0, s9;
	s7 =	sadd.s32 s13, s12;
	s9 =	sadd.s32 $0xFFFFFFF0, s9  }
.Ltmp0:
0xc: {  	s12 =	simm.s32 $0x8000;
	s4 =	ssub.s32 s5, s30;
	(pc) =	sbr.rel .LBB2_1-.Ltmp0, $4  }
0xd: {  	s3 =	sadd.s32 s3, s10;
	s31 =	sshll.u32 s17, $0xA;
	s10 =	simm.s32 $0x2000  }
0xe: {  	p1 =	sgt.u32 s17, $0x3CF;
	s17 =	simm.s32 $0x0;
	s4 =	smax.u32 s4, $0x1  }
0xf: {  	s5 =	sadd.s32 s6, s31;
	s6 =	sadd.s32 s8, s31;
	s8 =	sadd.s32 s11, s8  }
0x10: {  	s11 =	simm.s32 $0x7A1400;
	s8 =	sadd.s32 s13, s8;
	s13 =	simm.s32 $0x1  }
.LBB2_4:
0x11: {  	[tilespmem:s2], [sflag:$0x1] =	stream.strided.gather [hbm4b:s5+s10], $0x8000, s11, s10, $0x38;
	[tilespmem:$0x10000] =	vst v63  }
.LBB2_6:
0x12: {  	_ =	swait.ge [sflag:s13], $0x8000  }
0x13: {  	[sflag:s13] =	ssyncset.done $0x0  }
0x14: {  	[sflag:s13] =	ssyncadd.s32 $0xFFFF8000  }
0x15: {  	[hbm4b:s6+s10] =	stream.strided.scatter [tilespmem:s2], [sflag:$0x3], $0x8000, s11, s10, $0x38;
	[tilespmem:$0x10000] =	vst v63  }
0x16: {  	_ =	swait.ge [sflag:s15], $0x8000  }
0x17: {  	[sflag:s15] =	ssyncset.done $0x0  }
0x18: {  	[sflag:s15] =	ssyncadd.s32 $0xFFFF8000  }
.LBB2_7:
0x19: {  	s17 =	sadd.s32 $0x1, s17  }
0x1a: {  	p2 =	sne.s32 s17, s4  }
.Ltmp1:
0x1b: {  	_ = 	snop;
	(pc) =	sbr.rel @!p2 .LBB2_8-.Ltmp1, $1  }
0x1c: {  	_ =	sdelay $0x3  }
.LBB2_1:
0x1d: {  	s18 =	sadd.s32 $0x10, s9  }
0x1e: {  	p2 =	sgt.u32 s18, $0xF  }
0x1f: {  	p3 =	sgt.u32 @p2 s9, $0x3BF  }
0x20: {  	p3 =	por p3, !p2  }
0x21: {  	s28 =	sadd.s32 $0x0, s7;
	s19 =	sadd.s32 @!p3 $0x0, s7  }
0x22: {  	s20 =	simm.s32 @!p3 $0x2000;
	s21 =	simm.s32 @!p3 $0x7A1400;
	s22 =	simm.s32 @!p3 $0x0  }
0x23: {  	[tilespmem:s22], [sflag:$0x1] =	stream.strided.gather @!p3 [hbm4b:s19+s20], $0x8000, s21, s20, $0x38;
	[tilespmem:$0x10000] =	vst v63  }
0x24: {  	s18 =	simm.s32 @!p2 $0x0;
	s19 =	simm.s32 @!p2 $0x20000;
	s20 =	simm.s32 @!p2 $0x2000  }
0x25: {  	[tilespmem:s18], [sflag:$0x1] =	stream.strided.gather @!p2 [hbm4b:s3+s20], $0x8000, s19, s20, $0x38;
	[tilespmem:$0x10000] =	vst v63  }
0x26: {  	s29 =	sadd.s32 $0x8000, s28  }
0x27: {  	[tilespmem:s12], [sflag:$0x2] =	stream.strided.gather [hbm4b:s29+s10], $0x8000, s11, s10, $0x38;
	[tilespmem:$0x10000] =	vst v63  }
0x28: {  	_ =	swait.ge [sflag:s13], $0x8000  }
0x29: {  	[sflag:s13] =	ssyncset.done $0x0  }
0x2a: {  	s30 =	sadd.s32 $0x0, s8;
	[sflag:s13] =	ssyncadd.s32 $0xFFFF8000  }
0x2b: {  	[hbm4b:s30+s10] =	stream.strided.scatter [tilespmem:s2], [sflag:$0x3], $0x8000, s11, s10, $0x38;
	[tilespmem:$0x10000] =	vst v63  }
0x2c: {  	_ =	swait.ge [sflag:s14], $0x8000  }
0x2d: {  	[sflag:s14] =	ssyncset.done $0x0  }
0x2e: {  	s18 =	sadd.s32 $0x8000, s30;
	s19 =	sadd.s32 $0x40, s9;
	[sflag:s14] =	ssyncadd.s32 $0xFFFF8000  }
0x2f: {  	[hbm4b:s18+s10] =	stream.strided.scatter [tilespmem:s12], [sflag:$0x4], $0x8000, s11, s10, $0x38;
	[tilespmem:$0x10000] =	vst v63  }
0x30: {  	s31 =	sadd.s32 $0x10, s19;
	_ =	swait.ge [sflag:s15], $0x8000  }
0x31: {  	p2 =	sgt.u32 s31, $0xF;
	[sflag:s15] =	ssyncset.done $0x0  }
0x32: {  	s20 =	simm.s32 $0x20000;
	p4 =	sgt.u32 @p2 s19, $0x3BF;
	[sflag:s15] =	ssyncadd.s32 $0xFFFF8000  }
0x33: {  	s21 =	simm.s32 @!p2 $0x0;
	s18 =	simm.s32 $0x10000;
	_ =	swait.ge [sflag:s16], $0x8000  }
.LBB2_2:
0x34: {  	p3 =	por p4, !p2;
	s22 =	simm.s32 @!p2 $0x20000;
	[sflag:s16] =	ssyncset.done $0x0  }
0x35: {  	s23 =	sadd.s32 @!p3 s18, s7;
	s24 =	simm.s32 @!p3 $0x2000;
	[sflag:s16] =	ssyncadd.s32 $0xFFFF8000  }
0x36: {  	s28 =	simm.s32 @!p2 $0x2000;
	s25 =	simm.s32 @!p3 $0x7A1400;
	s26 =	simm.s32 @!p3 $0x0  }
0x37: {  	[tilespmem:s26], [sflag:$0x1] =	stream.strided.gather @!p3 [hbm4b:s23+s24], $0x8000, s25, s24, $0x38;
	[tilespmem:$0x10000] =	vst v63  }
0x38: {  	s23 =	sadd.s32 s18, s7;
	s24 =	smov.u32 s20;
	s20 =	sadd.s32 $0x10000, s20  }
0x39: {  	[tilespmem:s21], [sflag:$0x1] =	stream.strided.gather @!p2 [hbm4b:s3+s28], $0x8000, s22, s28, $0x38;
	[tilespmem:$0x10000] =	vst v63  }
0x3a: {  	p3 =	sne.s32 s20, $0xF0000;
	s21 =	sadd.s32 $0x8000, s23  }
0x3b: {  	[tilespmem:s12], [sflag:$0x2] =	stream.strided.gather [hbm4b:s21+s10], $0x8000, s11, s10, $0x38;
	[tilespmem:$0x10000] =	vst v63  }
0x3c: {  	_ =	swait.ge [sflag:s13], $0x8000  }
0x3d: {  	s21 =	sadd.s32 s18, s8;
	s18 =	smov.u32 s24;
	[sflag:s13] =	ssyncset.done $0x0  }
0x3e: {  	[sflag:s13] =	ssyncadd.s32 $0xFFFF8000  }
0x3f: {  	[hbm4b:s21+s10] =	stream.strided.scatter [tilespmem:s2], [sflag:$0x3], $0x8000, s11, s10, $0x38;
	[tilespmem:$0x10000] =	vst v63  }
0x40: {  	_ =	swait.ge [sflag:s14], $0x8000  }
0x41: {  	s21 =	sadd.s32 $0x8000, s21;
	[sflag:s14] =	ssyncset.done $0x0  }
0x42: {  	[sflag:s14] =	ssyncadd.s32 $0xFFFF8000  }
0x43: {  	[hbm4b:s21+s10] =	stream.strided.scatter [tilespmem:s12], [sflag:$0x4], $0x8000, s11, s10, $0x38;
	[tilespmem:$0x10000] =	vst v63  }
.Ltmp2:
0x44: {  	_ = 	snop;
	(pc) =	sbr.rel @p3 .LBB2_2-.Ltmp2, $4  }
0x45: {  	s19 =	sadd.s32 $0x40, s19;
	_ =	swait.ge [sflag:s15], $0x8000  }
0x46: {  	s21 =	sadd.s32 $0x10, s19;
	[sflag:s15] =	ssyncset.done $0x0  }
0x47: {  	p2 =	sgt.u32 s21, $0xF;
	[sflag:s15] =	ssyncadd.s32 $0xFFFF8000  }
0x48: {  	p4 =	sgt.u32 @p2 s19, $0x3BF;
	s21 =	simm.s32 @!p2 $0x0;
	_ =	swait.ge [sflag:s16], $0x8000  }
0x49: {  	p3 =	por p4, !p2  }
0x4a: {  	[sflag:s16] =	ssyncset.done $0x0;
	s19 =	sadd.s32 @!p3 s18, s7;
	s20 =	simm.s32 @!p3 $0x2000  }
0x4b: {  	[sflag:s16] =	ssyncadd.s32 $0xFFFF8000;
	s22 =	simm.s32 @!p3 $0x7A1400;
	s23 =	simm.s32 @!p3 $0x0  }
0x4c: {  	[tilespmem:s23], [sflag:$0x1] =	stream.strided.gather @!p3 [hbm4b:s19+s20], $0x8000, s22, s20, $0x38;
	[tilespmem:$0x10000] =	vst v63  }
0x4d: {  	s29 =	sadd.s32 s18, s7;
	s19 =	simm.s32 @!p2 $0x20000;
	s20 =	simm.s32 @!p2 $0x2000  }
0x4e: {  	[tilespmem:s21], [sflag:$0x1] =	stream.strided.gather @!p2 [hbm4b:s3+s20], $0x8000, s19, s20, $0x38;
	[tilespmem:$0x10000] =	vst v63  }
0x4f: {  	s30 =	sadd.s32 $0x8000, s29  }
0x50: {  	[tilespmem:s12], [sflag:$0x2] =	stream.strided.gather [hbm4b:s30+s10], $0x8000, s11, s10, $0x38;
	[tilespmem:$0x10000] =	vst v63  }
0x51: {  	_ =	swait.ge [sflag:s13], $0x8000  }
0x52: {  	[sflag:s13] =	ssyncset.done $0x0  }
0x53: {  	s31 =	sadd.s32 s18, s8;
	[sflag:s13] =	ssyncadd.s32 $0xFFFF8000  }
0x54: {  	[hbm4b:s31+s10] =	stream.strided.scatter [tilespmem:s2], [sflag:$0x3], $0x8000, s11, s10, $0x38;
	[tilespmem:$0x10000] =	vst v63  }
0x55: {  	_ =	swait.ge [sflag:s14], $0x8000  }
0x56: {  	[sflag:s14] =	ssyncset.done $0x0  }
0x57: {  	s18 =	sadd.s32 $0x8000, s31;
	[sflag:s14] =	ssyncadd.s32 $0xFFFF8000  }
0x58: {  	[hbm4b:s18+s10] =	stream.strided.scatter [tilespmem:s12], [sflag:$0x4], $0x8000, s11, s10, $0x38;
	[tilespmem:$0x10000] =	vst v63  }
0x59: {  	_ =	swait.ge [sflag:s15], $0x8000  }
.Ltmp3:
0x5a: {  	[sflag:s15] =	ssyncset.done $0x0;
	(pc) =	sbr.rel @!p0 .LBB2_4-.Ltmp3, $4  }
0x5b: {  	[sflag:s15] =	ssyncadd.s32 $0xFFFF8000  }
0x5c: {  	_ =	swait.ge [sflag:s16], $0x8000  }
0x5d: {  	[sflag:s16] =	ssyncset.done $0x0  }
0x5e: {  	[sflag:s16] =	ssyncadd.s32 $0xFFFF8000  }
.Ltmp4:
0x5f: {  	(pc) =	sbr.rel @p1 .LBB2_7-.Ltmp4, $4  }
.Ltmp5:
0x60: {  	(pc) =	sbr.rel @!p1 .LBB2_6-.Ltmp5, $4  }
0x61: {  	_ = 	snop  }
0x62: {  	_ = 	snop  }
0x63: {  	_ = 	snop  }
0x64: {  	_ = 	snop  }
.LBB2_8:
0x65: {  	_ =	sfence.sel $0x180000  }
0x66: {  	[bflag:$0x0] =	sbarrier.arrive $0xFFFF  }
0x67: {  	p0 =	sne.s32 s1, $0x0;
	_ =	strace $0x90000047  }
0x68: {  	s0 =	sadd.s32 @!p0 $0x100000, s0;
	[bflag:$0x2] =	sbarrier.arrive $0xFFFF  }
0x69: {  	[sflag:s0] =	ssyncadd.tile.s32 @!p0 $0x1;
	_ =	shalt  }
.Lfunc_end2:
_tile_overlayer_lowered:
.L_overlay_start_2:
0x6a: {  	(tag) =	ssettag $0x2  }
0x6b: {  	s0 =	rddreg [dreg:$0x0];
	s2 =	stileid.u32  }
0x6c: {  	s1 =	rddreg [dreg:$0x1];
	p0 =	sne.s32 s2, $0x0  }
0x6d: {  	s3 =	rddreg [dreg:$0x2];
	[bflag:$0x3] =	sbarrier.arrive $0xFFFF;
	s2 =	simm.s32 @!p0 $0x1C05  }
0x6e: {  	[timem:s3], [sflag:s2] =	dma.local @!p0 [hbm:s0], s1  }
0x6f: {  	s0 =	simm.s32 @!p0 $0x5  }
0x70: {  	_ =	swait.ge @!p0 [sflag:s0], s1  }
0x71: {  	s1 =	ssub.s32 @!p0 $0x0, s1;
	[sflag:s0] =	ssyncset.done @!p0 $0x0  }
0x72: {  	[sflag:s0] =	ssyncadd.s32 @!p0 s1  }
0x73: {  	[bflag:$0x3] =	sbarrier.arrive $0xFFFF  }
0x74: {  	_ =	shalt  }

</sc_bundles>
